<compile_context>
chip_gen: v7x
topology: tpu7x:2x2x1
jax: 0.10.2.dev20260603
libtpu: 0.0.44.dev20260713+nightly
codegen_flags: <defaults>
</compile_context>

<pallas_src>
import functools

import jax
import jax.numpy as jnp
from jax import lax
from jax.experimental import pallas as pl
from jax.experimental.pallas import tpu as pltpu
from jax.experimental.pallas import tpu_sc as plsc

_NUM_CORES = 2
_NUM_SUBCORES = 16
_NW = _NUM_CORES * _NUM_SUBCORES


_CB = 7


@functools.partial(jax.jit, static_argnames=("nb", "d"))
def _sc_detile(x4, *, nb, d):
    d2 = d // 8
    per_w = nb // _NW
    n_chunks = per_w // _CB
    chunk_elems = _CB * 128 * d
    mesh = plsc.VectorSubcoreMesh(core_axis_name="c", subcore_axis_name="s")

    @functools.partial(
        pl.kernel,
        mesh=mesh,
        compiler_params=pltpu.CompilerParams(
            use_tc_tiling_on_sc=False, needs_layout_passes=False),
        out_type=jax.ShapeDtypeStruct((nb * 128 * d,), jnp.float32),
        scratch_types=[
            pltpu.VMEM((chunk_elems,), jnp.float32),
            pltpu.VMEM((chunk_elems,), jnp.float32),
            pltpu.VMEM((chunk_elems,), jnp.float32),
            pltpu.VMEM((chunk_elems,), jnp.float32),
            pltpu.SemaphoreType.DMA,
            pltpu.SemaphoreType.DMA,
            pltpu.SemaphoreType.DMA,
        ],
    )
    def k(x4_hbm, out_hbm, in0, in1, out0, out1, sem_in, sem_o0, sem_o1):
        wid = lax.axis_index("s") * _NUM_CORES + lax.axis_index("c")
        cb_base = wid * per_w
        lane16 = lax.broadcasted_iota(jnp.int32, (16,), 0) * d

        def start_in(j, buf):
            cb0 = cb_base + j * _CB
            for a in range(d2):
                pltpu.async_copy(x4_hbm.at[pl.ds((a * nb + cb0) * 1024, _CB * 1024)],
                                 buf.at[pl.ds(a * _CB * 1024, _CB * 1024)], sem_in)

        def wait_in(buf):
            for a in range(d2):
                pltpu.make_async_copy(x4_hbm.at[pl.ds(0, _CB * 1024)],
                                      buf.at[pl.ds(a * _CB * 1024, _CB * 1024)],
                                      sem_in).wait()

        def regroup(buf, obuf):
            @functools.partial(plsc.parallel_loop, 0, d2 * _CB * 8, unroll=2)
            def _(t):
                a = t // (_CB * 8)
                ci = (t // 8) % _CB
                s = t % 8
                off = t * 128
                base = ci * (128 * d) + (8 * a + s)
                vecs = [buf[pl.ds(off + lg * 16, 16)] for lg in range(8)]
                for lg in range(8):
                    plsc.store_scatter(
                        obuf, [lane16 + (base + lg * 16 * d)], vecs[lg])

        def start_out(j, obuf, sem):
            cb0 = cb_base + j * _CB
            pltpu.async_copy(obuf, out_hbm.at[pl.ds(cb0 * 128 * d, chunk_elems)], sem)

        def wait_out(obuf, sem):
            pltpu.make_async_copy(obuf, out_hbm.at[pl.ds(0, chunk_elems)], sem).wait()

        start_in(0, in0)

        def pair_body(k2, carry):
            j0 = 2 * k2
            j1 = j0 + 1

            @pl.when(j1 < n_chunks)
            def _():
                start_in(j1, in1)
            wait_in(in0)

            @pl.when(j0 >= 2)
            def _():
                wait_out(out0, sem_o0)
            regroup(in0, out0)
            start_out(j0, out0, sem_o0)

            @pl.when(j1 < n_chunks)
            def _():
                @pl.when(j1 + 1 < n_chunks)
                def _():
                    start_in(j1 + 1, in0)
                wait_in(in1)

                @pl.when(j1 >= 2)
                def _():
                    wait_out(out1, sem_o1)
                regroup(in1, out1)
                start_out(j1, out1, sem_o1)
            return carry

        lax.fori_loop(0, (n_chunks + 1) // 2, pair_body, 0)
        wait_out(out0, sem_o0)
        if n_chunks >= 2:
            wait_out(out1, sem_o1)

    return k(x4)


@functools.partial(jax.jit, static_argnames=("n", "d", "chunk"))
def _sc_gather(ids, fm_v_lin, fm_w, *, n, d, chunk):
    fm_v = fm_v_lin.reshape(fm_v_lin.shape[0] // d, d)
    n_chunks = (n // _NW) // chunk
    per_w = n // _NW
    mesh = plsc.VectorSubcoreMesh(core_axis_name="c", subcore_axis_name="s")

    @functools.partial(
        pl.kernel,
        mesh=mesh,
        compiler_params=pltpu.CompilerParams(use_tc_tiling_on_sc=False),
        out_type=[
            jax.ShapeDtypeStruct((n, d), jnp.float32),
            jax.ShapeDtypeStruct((n,), jnp.float32),
        ],
        scratch_types=[
            pltpu.VMEM((chunk,), jnp.int32),
            pltpu.VMEM((chunk,), jnp.int32),
            pltpu.VMEM((chunk, d), jnp.float32),
            pltpu.VMEM((chunk, d), jnp.float32),
            pltpu.VMEM((chunk,), jnp.float32),
            pltpu.VMEM((chunk,), jnp.float32),
            pltpu.SemaphoreType.DMA,
            pltpu.SemaphoreType.DMA,
            pltpu.SemaphoreType.DMA,
            pltpu.SemaphoreType.DMA,
        ],
    )
    def k(ids_hbm, fmv_hbm, fmw_hbm, emb_out, w_out,
          idx0, idx1, r0, r1, w0, w1, sem_i, sem_g, sem_o0, sem_o1):
        wid = lax.axis_index("s") * _NUM_CORES + lax.axis_index("c")
        base = wid * per_w
        idxb, rb, wb = [idx0, idx1], [r0, r1], [w0, w1]
        sem_ob = [sem_o0, sem_o1]

        def off(j):
            return base + j * chunk

        def wait_idx(s):
            pltpu.make_async_copy(ids_hbm.at[pl.ds(0, chunk)], idxb[s], sem_i).wait()

        def wait_gather(s):
            pltpu.make_async_copy(fmv_hbm.at[idxb[s]], rb[s], sem_g).wait()
            pltpu.make_async_copy(fmw_hbm.at[idxb[s]], wb[s], sem_g).wait()

        def start_out(j, s):
            pltpu.async_copy(rb[s], emb_out.at[pl.ds(off(j), chunk)], sem_ob[s])
            pltpu.async_copy(wb[s], w_out.at[pl.ds(off(j), chunk)], sem_ob[s])

        def wait_out(s):
            pltpu.make_async_copy(rb[s], emb_out.at[pl.ds(0, chunk)], sem_ob[s]).wait()
            pltpu.make_async_copy(wb[s], w_out.at[pl.ds(0, chunk)], sem_ob[s]).wait()

        pltpu.async_copy(ids_hbm.at[pl.ds(off(0), chunk)], idx0, sem_i)
        for j in range(n_chunks):
            s = j % 2
            wait_idx(s)
            if j >= 2:
                wait_out(s)
            pltpu.async_copy(fmv_hbm.at[idxb[s]], rb[s], sem_g)
            pltpu.async_copy(fmw_hbm.at[idxb[s]], wb[s], sem_g)
            if j + 1 < n_chunks:
                pltpu.async_copy(ids_hbm.at[pl.ds(off(j + 1), chunk)], idxb[1 - s], sem_i)
            if j > 0:
                wait_gather(1 - s)
                start_out(j - 1, 1 - s)
        last = n_chunks - 1
        wait_gather(last % 2)
        start_out(last, last % 2)
        if n_chunks >= 2:
            wait_out((last - 1) % 2)
        wait_out(last % 2)

    return k(ids, fm_v, fm_w)


def _tc_body(n_layers, f, d, emb_ref, vals_ref, w_ref, fmb_ref, *param_refs):
    out_ref = param_refs[-1]
    param_refs = param_refs[:-1]
    fd = f * d
    emb = emb_ref[...]
    vals = vals_ref[...]

    rr = lax.broadcasted_iota(jnp.int32, (f, fd), 0)
    cc = lax.broadcasted_iota(jnp.int32, (f, fd), 1)
    s_mat = (cc // d == rr).astype(jnp.float32)
    vrep = jnp.dot(vals, s_mat, preferred_element_type=jnp.float32)
    x = emb * vrep

    c2 = lax.broadcasted_iota(jnp.int32, (fd, d), 0)
    d2 = lax.broadcasted_iota(jnp.int32, (fd, d), 1)
    t_mat = (c2 % d == d2).astype(jnp.float32)
    sum_vec = jnp.dot(x, t_mat, preferred_element_type=jnp.float32)
    y_v = 0.5 * (jnp.sum(sum_vec * sum_vec, axis=1, keepdims=True)
                 - jnp.sum(x * x, axis=1, keepdims=True))

    y_w = jnp.sum(w_ref[...] * vals, axis=1, keepdims=True)

    h = x
    for i in range(n_layers):
        w_l, b_l, inv_l, sh_l = param_refs[4 * i:4 * i + 4]
        h = jnp.dot(h.astype(jnp.bfloat16), w_l[...].astype(jnp.bfloat16),
                    preferred_element_type=jnp.float32) + b_l[...]
        h = jnp.maximum(h, 0.0)
        h = h * inv_l[...] + sh_l[...]
    w_out_ref, b_out_ref = param_refs[4 * n_layers:4 * n_layers + 2]
    y_d = jnp.dot(h.astype(jnp.bfloat16), w_out_ref[...].astype(jnp.bfloat16),
                  preferred_element_type=jnp.float32) + b_out_ref[0, 0]

    y = fmb_ref[0, 0] + y_w + y_v + y_d
    out_ref[...] = jax.nn.sigmoid(y)


def _tc_mlp(emb, vals, w, fmb, layer_params, w_out, b_out, *, blk):
    b_total, fd = emb.shape
    f = vals.shape[1]
    d = fd // f
    n_layers = len(layer_params)
    grid = (b_total // blk,)

    def row_spec(width):
        return pl.BlockSpec((blk, width), lambda i: (i, 0))

    def full_spec(shape):
        return pl.BlockSpec(shape, lambda i: (0,) * len(shape))

    in_specs = [
        row_spec(fd),
        row_spec(f),
        row_spec(f),
        full_spec((1, 1)),
    ]
    args = [emb, vals, w, fmb]
    for (w_l, b_l, inv_l, sh_l) in layer_params:
        in_specs += [full_spec(w_l.shape), full_spec(b_l.shape),
                     full_spec(inv_l.shape), full_spec(sh_l.shape)]
        args += [w_l, b_l, inv_l, sh_l]
    in_specs += [full_spec(w_out.shape), full_spec(b_out.shape)]
    args += [w_out, b_out]

    return pl.pallas_call(
        functools.partial(_tc_body, n_layers, f, d),
        grid=grid,
        in_specs=in_specs,
        out_specs=pl.BlockSpec((blk, 1), lambda i: (i, 0)),
        out_shape=jax.ShapeDtypeStruct((b_total, 1), jnp.float32),
    )(*args)


def kernel(feat_ids, feat_vals, FM_B, FM_W, FM_V, params):
    b, f = feat_ids.shape
    v, d = FM_V.shape
    n = b * f

    ids = feat_ids.reshape(-1).astype(jnp.int32)
    nb = ((v + 128 * _NW * _CB - 1) // (128 * _NW * _CB)) * _NW * _CB
    v_pad = nb * 128
    fvp = jnp.pad(FM_V, ((0, v_pad - v), (0, 0)))
    x1 = fvp.T.reshape(d // 8, 8, nb, 128).transpose(0, 2, 1, 3).reshape(-1)
    table_lin = _sc_detile(x1, nb=nb, d=d)
    emb_flat, w_flat = _sc_gather(ids, table_lin, FM_W, n=n, d=d, chunk=1664)
    emb = emb_flat.reshape(b, f * d)
    w = w_flat.reshape(b, f)

    n_layers = sum(1 for k in params if k.startswith("W") and k != "W_out")
    layer_params = []
    for i in range(n_layers):
        inv = params[f"gamma{i}"] / jnp.sqrt(params[f"var{i}"] + 1e-3)
        sh = params[f"beta{i}"] - params[f"mean{i}"] * inv
        layer_params.append((
            params[f"W{i}"],
            params[f"b{i}"].reshape(1, -1),
            inv.reshape(1, -1),
            sh.reshape(1, -1),
        ))
    w_out = params["W_out"]
    b_out = params["b_out"].reshape(1, 1)
    fmb = FM_B.reshape(1, 1)

    pred = _tc_mlp(emb, feat_vals, w, fmb, layer_params, w_out, b_out, blk=1024)
    return pred.reshape(-1)

# --- scband reference (transcript-rebuilt; emitter-appended) ---
"""Pipeline reference for scband-deep-fm-17377437680085 (READ-ONLY COPY).

The authoritative reference and input builder live on the scoring server;
editing this copy changes nothing except your own understanding.
"""

import jax, jax.numpy as jnp
import numpy as np

B = 16384
F = 26
V = 1000000
D = 16
HIDDEN = [400, 400, 400]


def setup_inputs(seed: int = 0) -> dict:
    key = jax.random.key(seed)
    ks = jax.random.split(key, 16)
    feat_ids = jax.random.randint(ks[0], (B, F), 0, V, dtype=jnp.int64 if jax.config.jax_enable_x64 else jnp.int32)
    feat_vals = jax.random.uniform(ks[1], (B, F), dtype=jnp.float32)
    FM_B = jnp.zeros((1,), jnp.float32)
    FM_W = jax.random.normal(ks[2], (V,), dtype=jnp.float32) * 0.01
    FM_V = jax.random.normal(ks[3], (V, D), dtype=jnp.float32) * 0.01
    params = {}
    in_dim = F * D
    for i, h in enumerate(HIDDEN):
        params[f"W{i}"] = jax.random.normal(ks[4 + 2 * i], (in_dim, h), dtype=jnp.float32) * (1.0 / np.sqrt(in_dim))
        params[f"b{i}"] = jnp.zeros((h,), jnp.float32)
        params[f"gamma{i}"] = jnp.ones((h,), jnp.float32)
        params[f"beta{i}"] = jnp.zeros((h,), jnp.float32)
        params[f"mean{i}"] = jnp.zeros((h,), jnp.float32)
        params[f"var{i}"] = jnp.ones((h,), jnp.float32)
        in_dim = h
    params["W_out"] = jax.random.normal(ks[12], (in_dim, 1), dtype=jnp.float32) * 0.05
    params["b_out"] = jnp.zeros((1,), jnp.float32)
    return {"feat_ids": feat_ids, "feat_vals": feat_vals, "FM_B": FM_B, "FM_W": FM_W, "FM_V": FM_V, "params": params}


def reference(feat_ids, feat_vals, FM_B, FM_W, FM_V, params):
    # First-order: w_i * x_i
    feat_wgts = jnp.take(FM_W, feat_ids, axis=0)               # [B, F]
    y_w = jnp.sum(feat_wgts * feat_vals, axis=1)               # [B]
    # Second-order FM interaction
    embeddings = jnp.take(FM_V, feat_ids, axis=0)              # [B, F, D]
    embeddings = embeddings * feat_vals[:, :, None]            # [B, F, D]
    sum_square = jnp.square(jnp.sum(embeddings, axis=1))       # [B, D]
    square_sum = jnp.sum(jnp.square(embeddings), axis=1)       # [B, D]
    y_v = 0.5 * jnp.sum(sum_square - square_sum, axis=1)       # [B]
    # Deep part (inference-mode batch norm with stored statistics)
    x = embeddings.reshape(-1, F * D)
    for i in range(len(HIDDEN)):
        x = x @ params[f"W{i}"] + params[f"b{i}"]
        x = jax.nn.relu(x)
        x = (x - params[f"mean{i}"]) / jnp.sqrt(params[f"var{i}"] + 1e-3)
        x = x * params[f"gamma{i}"] + params[f"beta{i}"]
    y_d = (x @ params["W_out"] + params["b_out"]).reshape(-1)  # [B]
    y_bias = FM_B * jnp.ones_like(y_d)
    y = y_bias + y_w + y_v + y_d
    pred = jax.nn.sigmoid(y)
    return pred

if __name__ == "__main__":
    import jax
    _d = setup_inputs()
    print(jax.jit(kernel)(*tuple(_d.values())))

</pallas_src>

<mosaic_0001>
#map = affine_map<(d0, d1) -> (0)>
module attributes {stable_mosaic.version = 14 : i64} {
  func.func @k(%arg0: i32, %arg1: i32, %arg2: memref<16056320xf32, #tpu.memory_space<hbm>>, %arg3: memref<16056320xf32, #tpu.memory_space<hbm>>, %arg4: memref<14336xf32, #tpu.memory_space<vmem>>, %arg5: memref<14336xf32, #tpu.memory_space<vmem>>, %arg6: memref<14336xf32, #tpu.memory_space<vmem>>, %arg7: memref<14336xf32, #tpu.memory_space<vmem>>, %arg8: memref<!tpu.dma_semaphore, #tpu.memory_space<semaphore_mem>>, %arg9: memref<!tpu.dma_semaphore, #tpu.memory_space<semaphore_mem>>, %arg10: memref<!tpu.dma_semaphore, #tpu.memory_space<semaphore_mem>>) attributes {dimension_semantics = [#tpu.dimension_semantics<core_parallel>, #tpu.dimension_semantics<subcore_parallel>], iteration_bounds = array<i64: 2, 16>, scalar_prefetch = 0 : i64, scratch_operands = 7 : i64, tpu.core_type = #tpu.core_type<sc_vector_subcore>, window_params = [{transform_indices = #map}, {transform_indices = #map}]} {
    %mul3A = arith.constant 2 : i32
    %mul3A_0 = arith.muli %arg1, %mul3A : i32
    %add3A = arith.addi %mul3A_0, %arg0 : i32
    %mul3A_1 = arith.constant 245 : i32
    %mul3A_2 = arith.muli %add3A, %mul3A_1 : i32
    %iota3A = tpu.iota {dimensions = array<i32: 0>} : vector<16xi32>
    %mul3A_3 = arith.constant 16 : i32
    %mul3A_4 = vector.broadcast %mul3A_3 : i32 to vector<16xi32>
    %mul3A_5 = arith.muli %iota3A, %mul3A_4 : vector<16xi32>
    %add3A_6 = arith.constant 0 : i32
    %add3A_7 = arith.addi %mul3A_2, %add3A_6 : i32
    %add3A_8 = arith.constant 0 : i32
    %add3A_9 = arith.addi %add3A_8, %add3A_7 : i32
    %mul3A_10 = arith.constant 1024 : i32
    %mul3A_11 = arith.muli %add3A_9, %mul3A_10 : i32
    %dma_start3A = arith.constant 0 : i32
    %dma_start3A_12 = tpu.memref_slice %arg4[%dma_start3A] : memref<14336xf32, #tpu.memory_space<vmem>> -> memref<7168xf32, #tpu.memory_space<vmem>>
    %dma_start3A_13 = tpu.memref_slice %arg2[%mul3A_11] : memref<16056320xf32, #tpu.memory_space<hbm>> -> memref<7168xf32, #tpu.memory_space<hbm>>
    %dma_start3A_14 = arith.constant 0 : i32
    %dma_start3A_15 = tpu.memref_slice %arg4[%dma_start3A_14] : memref<14336xf32, #tpu.memory_space<vmem>> -> memref<7168xf32, #tpu.memory_space<vmem>>
    %dma_start3A_16 = tpu.memref_slice %arg2[%mul3A_11] : memref<16056320xf32, #tpu.memory_space<hbm>> -> memref<7168xf32, #tpu.memory_space<hbm>>
    tpu.enqueue_dma source(%dma_start3A_16 : memref<7168xf32, #tpu.memory_space<hbm>>) target(%dma_start3A_15 : memref<7168xf32, #tpu.memory_space<vmem>>) target_semaphore(%arg8 : memref<!tpu.dma_semaphore, #tpu.memory_space<semaphore_mem>>)
    %add3A_17 = arith.constant 7840 : i32
    %add3A_18 = arith.addi %add3A_17, %add3A_7 : i32
    %mul3A_19 = arith.constant 1024 : i32
    %mul3A_20 = arith.muli %add3A_18, %mul3A_19 : i32
    %dma_start3A_21 = arith.constant 7168 : i32
    %dma_start3A_22 = tpu.memref_slice %arg4[%dma_start3A_21] : memref<14336xf32, #tpu.memory_space<vmem>> -> memref<7168xf32, #tpu.memory_space<vmem>>
    %dma_start3A_23 = tpu.memref_slice %arg2[%mul3A_20] : memref<16056320xf32, #tpu.memory_space<hbm>> -> memref<7168xf32, #tpu.memory_space<hbm>>
    %dma_start3A_24 = arith.constant 7168 : i32
    %dma_start3A_25 = tpu.memref_slice %arg4[%dma_start3A_24] : memref<14336xf32, #tpu.memory_space<vmem>> -> memref<7168xf32, #tpu.memory_space<vmem>>
    %dma_start3A_26 = tpu.memref_slice %arg2[%mul3A_20] : memref<16056320xf32, #tpu.memory_space<hbm>> -> memref<7168xf32, #tpu.memory_space<hbm>>
    tpu.enqueue_dma source(%dma_start3A_26 : memref<7168xf32, #tpu.memory_space<hbm>>) target(%dma_start3A_25 : memref<7168xf32, #tpu.memory_space<vmem>>) target_semaphore(%arg8 : memref<!tpu.dma_semaphore, #tpu.memory_space<semaphore_mem>>)
    %scan3A = arith.constant 0 : i32
    %scan3A_27 = arith.constant 0 : i32
    %scan3A_28 = arith.constant 18 : i32
    %scan3A_29 = arith.addi %scan3A_27, %scan3A_28 : i32
    %scan3A_30 = arith.constant 1 : i32
    scf.for %scan3A_39 = %scan3A_27 to %scan3A_29 step %scan3A_30  : i32 {
      %mul3A_40 = arith.constant 2 : i32
      %mul3A_41 = arith.muli %mul3A_40, %scan3A_39 : i32
      %add3A_42 = arith.constant 1 : i32
      %add3A_43 = arith.addi %mul3A_41, %add3A_42 : i32
      %lt3A = arith.constant 35 : i32
      %lt3A_44 = arith.cmpi slt, %add3A_43, %lt3A : i32
      %convert_element_type3A = arith.extui %lt3A_44 : i1 to i32
      %cond3A = arith.constant 0 : i32
      %cond3A_45 = arith.cmpi ne, %convert_element_type3A, %cond3A : i32
      scf.if %cond3A_45 {
        %mul3A_80 = arith.constant 7 : i32
        %mul3A_81 = arith.muli %add3A_43, %mul3A_80 : i32
        %add3A_82 = arith.addi %mul3A_2, %mul3A_81 : i32
        %add3A_83 = arith.constant 0 : i32
        %add3A_84 = arith.addi %add3A_83, %add3A_82 : i32
        %mul3A_85 = arith.constant 1024 : i32
        %mul3A_86 = arith.muli %add3A_84, %mul3A_85 : i32
        %dma_start3A_87 = arith.constant 0 : i32
        %dma_start3A_88 = tpu.memref_slice %arg5[%dma_start3A_87] : memref<14336xf32, #tpu.memory_space<vmem>> -> memref<7168xf32, #tpu.memory_space<vmem>>
        %dma_start3A_89 = tpu.memref_slice %arg2[%mul3A_86] : memref<16056320xf32, #tpu.memory_space<hbm>> -> memref<7168xf32, #tpu.memory_space<hbm>>
        %dma_start3A_90 = arith.constant 0 : i32
        %dma_start3A_91 = tpu.memref_slice %arg5[%dma_start3A_90] : memref<14336xf32, #tpu.memory_space<vmem>> -> memref<7168xf32, #tpu.memory_space<vmem>>
        %dma_start3A_92 = tpu.memref_slice %arg2[%mul3A_86] : memref<16056320xf32, #tpu.memory_space<hbm>> -> memref<7168xf32, #tpu.memory_space<hbm>>
        tpu.enqueue_dma source(%dma_start3A_92 : memref<7168xf32, #tpu.memory_space<hbm>>) target(%dma_start3A_91 : memref<7168xf32, #tpu.memory_space<vmem>>) target_semaphore(%arg8 : memref<!tpu.dma_semaphore, #tpu.memory_space<semaphore_mem>>)
        %add3A_93 = arith.constant 7840 : i32
        %add3A_94 = arith.addi %add3A_93, %add3A_82 : i32
        %mul3A_95 = arith.constant 1024 : i32
        %mul3A_96 = arith.muli %add3A_94, %mul3A_95 : i32
        %dma_start3A_97 = arith.constant 7168 : i32
        %dma_start3A_98 = tpu.memref_slice %arg5[%dma_start3A_97] : memref<14336xf32, #tpu.memory_space<vmem>> -> memref<7168xf32, #tpu.memory_space<vmem>>
        %dma_start3A_99 = tpu.memref_slice %arg2[%mul3A_96] : memref<16056320xf32, #tpu.memory_space<hbm>> -> memref<7168xf32, #tpu.memory_space<hbm>>
        %dma_start3A_100 = arith.constant 7168 : i32
        %dma_start3A_101 = tpu.memref_slice %arg5[%dma_start3A_100] : memref<14336xf32, #tpu.memory_space<vmem>> -> memref<7168xf32, #tpu.memory_space<vmem>>
        %dma_start3A_102 = tpu.memref_slice %arg2[%mul3A_96] : memref<16056320xf32, #tpu.memory_space<hbm>> -> memref<7168xf32, #tpu.memory_space<hbm>>
        tpu.enqueue_dma source(%dma_start3A_102 : memref<7168xf32, #tpu.memory_space<hbm>>) target(%dma_start3A_101 : memref<7168xf32, #tpu.memory_space<vmem>>) target_semaphore(%arg8 : memref<!tpu.dma_semaphore, #tpu.memory_space<semaphore_mem>>)
      } else {
      }
      %dma_wait3A_46 = arith.constant 0 : i32
      %dma_wait3A_47 = tpu.memref_slice %arg4[%dma_wait3A_46] : memref<14336xf32, #tpu.memory_space<vmem>> -> memref<7168xf32, #tpu.memory_space<vmem>>
      %dma_wait3A_48 = arith.constant 0 : i32
      %dma_wait3A_49 = tpu.memref_slice %arg2[%dma_wait3A_48] : memref<16056320xf32, #tpu.memory_space<hbm>> -> memref<7168xf32, #tpu.memory_space<hbm>>
      %dma_wait3A_50 = arith.constant 0 : i32
      %dma_wait3A_51 = tpu.memref_slice %arg4[%dma_wait3A_50] : memref<14336xf32, #tpu.memory_space<vmem>> -> memref<7168xf32, #tpu.memory_space<vmem>>
      %dma_wait3A_52 = arith.constant 0 : i32
      %dma_wait3A_53 = tpu.memref_slice %arg2[%dma_wait3A_52] : memref<16056320xf32, #tpu.memory_space<hbm>> -> memref<7168xf32, #tpu.memory_space<hbm>>
      tpu.wait_dma2 semaphore(%arg8 : memref<!tpu.dma_semaphore, #tpu.memory_space<semaphore_mem>>) src(%dma_wait3A_53 : memref<7168xf32, #tpu.memory_space<hbm>>) dst(%dma_wait3A_51 : memref<7168xf32, #tpu.memory_space<vmem>>)
      %dma_wait3A_54 = arith.constant 7168 : i32
      %dma_wait3A_55 = tpu.memref_slice %arg4[%dma_wait3A_54] : memref<14336xf32, #tpu.memory_space<vmem>> -> memref<7168xf32, #tpu.memory_space<vmem>>
      %dma_wait3A_56 = arith.constant 0 : i32
      %dma_wait3A_57 = tpu.memref_slice %arg2[%dma_wait3A_56] : memref<16056320xf32, #tpu.memory_space<hbm>> -> memref<7168xf32, #tpu.memory_space<hbm>>
      %dma_wait3A_58 = arith.constant 7168 : i32
      %dma_wait3A_59 = tpu.memref_slice %arg4[%dma_wait3A_58] : memref<14336xf32, #tpu.memory_space<vmem>> -> memref<7168xf32, #tpu.memory_space<vmem>>
      %dma_wait3A_60 = arith.constant 0 : i32
      %dma_wait3A_61 = tpu.memref_slice %arg2[%dma_wait3A_60] : memref<16056320xf32, #tpu.memory_space<hbm>> -> memref<7168xf32, #tpu.memory_space<hbm>>
      tpu.wait_dma2 semaphore(%arg8 : memref<!tpu.dma_semaphore, #tpu.memory_space<semaphore_mem>>) src(%dma_wait3A_61 : memref<7168xf32, #tpu.memory_space<hbm>>) dst(%dma_wait3A_59 : memref<7168xf32, #tpu.memory_space<vmem>>)
      %ge3A = arith.constant 2 : i32
      %ge3A_62 = arith.cmpi sge, %mul3A_41, %ge3A : i32
      %convert_element_type3A_63 = arith.extui %ge3A_62 : i1 to i32
      %cond3A_64 = arith.constant 0 : i32
      %cond3A_65 = arith.cmpi ne, %convert_element_type3A_63, %cond3A_64 : i32
      scf.if %cond3A_65 {
        %dma_wait3A_80 = arith.constant 0 : i32
        %dma_wait3A_81 = tpu.memref_slice %arg3[%dma_wait3A_80] : memref<16056320xf32, #tpu.memory_space<hbm>> -> memref<14336xf32, #tpu.memory_space<hbm>>
        %dma_wait3A_82 = arith.constant 0 : i32
        %dma_wait3A_83 = tpu.memref_slice %arg3[%dma_wait3A_82] : memref<16056320xf32, #tpu.memory_space<hbm>> -> memref<14336xf32, #tpu.memory_space<hbm>>
        tpu.wait_dma2 semaphore(%arg9 : memref<!tpu.dma_semaphore, #tpu.memory_space<semaphore_mem>>) src(%arg6 : memref<14336xf32, #tpu.memory_space<vmem>>) dst(%dma_wait3A_83 : memref<14336xf32, #tpu.memory_space<hbm>>)
      } else {
      }
      %mul3A_66 = arith.constant 7 : i32
      %mul3A_67 = arith.muli %mul3A_41, %mul3A_66 : i32
      %add3A_68 = arith.addi %mul3A_2, %mul3A_67 : i32
      %mul3A_69 = arith.constant 128 : i32
      %mul3A_70 = arith.muli %add3A_68, %mul3A_69 : i32
      %mul3A_71 = arith.constant 16 : i32
      %mul3A_72 = arith.muli %mul3A_70, %mul3A_71 : i32
      %dma_start3A_73 = tpu.memref_slice %arg3[%mul3A_72] : memref<16056320xf32, #tpu.memory_space<hbm>> -> memref<14336xf32, #tpu.memory_space<hbm>>
      %dma_start3A_74 = tpu.memref_slice %arg3[%mul3A_72] : memref<16056320xf32, #tpu.memory_space<hbm>> -> memref<14336xf32, #tpu.memory_space<hbm>>
      tpu.enqueue_dma source(%arg6 : memref<14336xf32, #tpu.memory_space<vmem>>) target(%dma_start3A_74 : memref<14336xf32, #tpu.memory_space<hbm>>) target_semaphore(%arg9 : memref<!tpu.dma_semaphore, #tpu.memory_space<semaphore_mem>>)
      %lt3A_75 = arith.constant 35 : i32
      %lt3A_76 = arith.cmpi slt, %add3A_43, %lt3A_75 : i32
      %convert_element_type3A_77 = arith.extui %lt3A_76 : i1 to i32
      %cond3A_78 = arith.constant 0 : i32
      %cond3A_79 = arith.cmpi ne, %convert_element_type3A_77, %cond3A_78 : i32
      scf.if %cond3A_79 {
        %add3A_80 = arith.constant 1 : i32
        %add3A_81 = arith.addi %add3A_43, %add3A_80 : i32
        %lt3A_82 = arith.constant 35 : i32
        %lt3A_83 = arith.cmpi slt, %add3A_81, %lt3A_82 : i32
        %convert_element_type3A_84 = arith.extui %lt3A_83 : i1 to i32
        %cond3A_85 = arith.constant 0 : i32
        %cond3A_86 = arith.cmpi ne, %convert_element_type3A_84, %cond3A_85 : i32
        scf.if %cond3A_86 {
          %add3A_117 = arith.constant 1 : i32
          %add3A_118 = arith.addi %add3A_43, %add3A_117 : i32
          %mul3A_119 = arith.constant 7 : i32
          %mul3A_120 = arith.muli %add3A_118, %mul3A_119 : i32
          %add3A_121 = arith.addi %mul3A_2, %mul3A_120 : i32
          %add3A_122 = arith.constant 0 : i32
          %add3A_123 = arith.addi %add3A_122, %add3A_121 : i32
          %mul3A_124 = arith.constant 1024 : i32
          %mul3A_125 = arith.muli %add3A_123, %mul3A_124 : i32
          %dma_start3A_126 = arith.constant 0 : i32
          %dma_start3A_127 = tpu.memref_slice %arg4[%dma_start3A_126] : memref<14336xf32, #tpu.memory_space<vmem>> -> memref<7168xf32, #tpu.memory_space<vmem>>
          %dma_start3A_128 = tpu.memref_slice %arg2[%mul3A_125] : memref<16056320xf32, #tpu.memory_space<hbm>> -> memref<7168xf32, #tpu.memory_space<hbm>>
          %dma_start3A_129 = arith.constant 0 : i32
          %dma_start3A_130 = tpu.memref_slice %arg4[%dma_start3A_129] : memref<14336xf32, #tpu.memory_space<vmem>> -> memref<7168xf32, #tpu.memory_space<vmem>>
          %dma_start3A_131 = tpu.memref_slice %arg2[%mul3A_125] : memref<16056320xf32, #tpu.memory_space<hbm>> -> memref<7168xf32, #tpu.memory_space<hbm>>
          tpu.enqueue_dma source(%dma_start3A_131 : memref<7168xf32, #tpu.memory_space<hbm>>) target(%dma_start3A_130 : memref<7168xf32, #tpu.memory_space<vmem>>) target_semaphore(%arg8 : memref<!tpu.dma_semaphore, #tpu.memory_space<semaphore_mem>>)
          %add3A_132 = arith.constant 7840 : i32
          %add3A_133 = arith.addi %add3A_132, %add3A_121 : i32
          %mul3A_134 = arith.constant 1024 : i32
          %mul3A_135 = arith.muli %add3A_133, %mul3A_134 : i32
          %dma_start3A_136 = arith.constant 7168 : i32
          %dma_start3A_137 = tpu.memref_slice %arg4[%dma_start3A_136] : memref<14336xf32, #tpu.memory_space<vmem>> -> memref<7168xf32, #tpu.memory_space<vmem>>
          %dma_start3A_138 = tpu.memref_slice %arg2[%mul3A_135] : memref<16056320xf32, #tpu.memory_space<hbm>> -> memref<7168xf32, #tpu.memory_space<hbm>>
          %dma_start3A_139 = arith.constant 7168 : i32
          %dma_start3A_140 = tpu.memref_slice %arg4[%dma_start3A_139] : memref<14336xf32, #tpu.memory_space<vmem>> -> memref<7168xf32, #tpu.memory_space<vmem>>
          %dma_start3A_141 = tpu.memref_slice %arg2[%mul3A_135] : memref<16056320xf32, #tpu.memory_space<hbm>> -> memref<7168xf32, #tpu.memory_space<hbm>>
          tpu.enqueue_dma source(%dma_start3A_141 : memref<7168xf32, #tpu.memory_space<hbm>>) target(%dma_start3A_140 : memref<7168xf32, #tpu.memory_space<vmem>>) target_semaphore(%arg8 : memref<!tpu.dma_semaphore, #tpu.memory_space<semaphore_mem>>)
        } else {
        }
        %dma_wait3A_87 = arith.constant 0 : i32
        %dma_wait3A_88 = tpu.memref_slice %arg5[%dma_wait3A_87] : memref<14336xf32, #tpu.memory_space<vmem>> -> memref<7168xf32, #tpu.memory_space<vmem>>
        %dma_wait3A_89 = arith.constant 0 : i32
        %dma_wait3A_90 = tpu.memref_slice %arg2[%dma_wait3A_89] : memref<16056320xf32, #tpu.memory_space<hbm>> -> memref<7168xf32, #tpu.memory_space<hbm>>
        %dma_wait3A_91 = arith.constant 0 : i32
        %dma_wait3A_92 = tpu.memref_slice %arg5[%dma_wait3A_91] : memref<14336xf32, #tpu.memory_space<vmem>> -> memref<7168xf32, #tpu.memory_space<vmem>>
        %dma_wait3A_93 = arith.constant 0 : i32
        %dma_wait3A_94 = tpu.memref_slice %arg2[%dma_wait3A_93] : memref<16056320xf32, #tpu.memory_space<hbm>> -> memref<7168xf32, #tpu.memory_space<hbm>>
        tpu.wait_dma2 semaphore(%arg8 : memref<!tpu.dma_semaphore, #tpu.memory_space<semaphore_mem>>) src(%dma_wait3A_94 : memref<7168xf32, #tpu.memory_space<hbm>>) dst(%dma_wait3A_92 : memref<7168xf32, #tpu.memory_space<vmem>>)
        %dma_wait3A_95 = arith.constant 7168 : i32
        %dma_wait3A_96 = tpu.memref_slice %arg5[%dma_wait3A_95] : memref<14336xf32, #tpu.memory_space<vmem>> -> memref<7168xf32, #tpu.memory_space<vmem>>
        %dma_wait3A_97 = arith.constant 0 : i32
        %dma_wait3A_98 = tpu.memref_slice %arg2[%dma_wait3A_97] : memref<16056320xf32, #tpu.memory_space<hbm>> -> memref<7168xf32, #tpu.memory_space<hbm>>
        %dma_wait3A_99 = arith.constant 7168 : i32
        %dma_wait3A_100 = tpu.memref_slice %arg5[%dma_wait3A_99] : memref<14336xf32, #tpu.memory_space<vmem>> -> memref<7168xf32, #tpu.memory_space<vmem>>
        %dma_wait3A_101 = arith.constant 0 : i32
        %dma_wait3A_102 = tpu.memref_slice %arg2[%dma_wait3A_101] : memref<16056320xf32, #tpu.memory_space<hbm>> -> memref<7168xf32, #tpu.memory_space<hbm>>
        tpu.wait_dma2 semaphore(%arg8 : memref<!tpu.dma_semaphore, #tpu.memory_space<semaphore_mem>>) src(%dma_wait3A_102 : memref<7168xf32, #tpu.memory_space<hbm>>) dst(%dma_wait3A_100 : memref<7168xf32, #tpu.memory_space<vmem>>)
        %ge3A_103 = arith.constant 2 : i32
        %ge3A_104 = arith.cmpi sge, %add3A_43, %ge3A_103 : i32
        %convert_element_type3A_105 = arith.extui %ge3A_104 : i1 to i32
        %cond3A_106 = arith.constant 0 : i32
        %cond3A_107 = arith.cmpi ne, %convert_element_type3A_105, %cond3A_106 : i32
        scf.if %cond3A_107 {
          %dma_wait3A_117 = arith.constant 0 : i32
          %dma_wait3A_118 = tpu.memref_slice %arg3[%dma_wait3A_117] : memref<16056320xf32, #tpu.memory_space<hbm>> -> memref<14336xf32, #tpu.memory_space<hbm>>
          %dma_wait3A_119 = arith.constant 0 : i32
          %dma_wait3A_120 = tpu.memref_slice %arg3[%dma_wait3A_119] : memref<16056320xf32, #tpu.memory_space<hbm>> -> memref<14336xf32, #tpu.memory_space<hbm>>
          tpu.wait_dma2 semaphore(%arg10 : memref<!tpu.dma_semaphore, #tpu.memory_space<semaphore_mem>>) src(%arg7 : memref<14336xf32, #tpu.memory_space<vmem>>) dst(%dma_wait3A_120 : memref<14336xf32, #tpu.memory_space<hbm>>)
        } else {
        }
        %mul3A_108 = arith.constant 7 : i32
        %mul3A_109 = arith.muli %add3A_43, %mul3A_108 : i32
        %add3A_110 = arith.addi %mul3A_2, %mul3A_109 : i32
        %mul3A_111 = arith.constant 128 : i32
        %mul3A_112 = arith.muli %add3A_110, %mul3A_111 : i32
        %mul3A_113 = arith.constant 16 : i32
        %mul3A_114 = arith.muli %mul3A_112, %mul3A_113 : i32
        %dma_start3A_115 = tpu.memref_slice %arg3[%mul3A_114] : memref<16056320xf32, #tpu.memory_space<hbm>> -> memref<14336xf32, #tpu.memory_space<hbm>>
        %dma_start3A_116 = tpu.memref_slice %arg3[%mul3A_114] : memref<16056320xf32, #tpu.memory_space<hbm>> -> memref<14336xf32, #tpu.memory_space<hbm>>
        tpu.enqueue_dma source(%arg7 : memref<14336xf32, #tpu.memory_space<vmem>>) target(%dma_start3A_116 : memref<14336xf32, #tpu.memory_space<hbm>>) target_semaphore(%arg10 : memref<!tpu.dma_semaphore, #tpu.memory_space<semaphore_mem>>)
      } else {
      }
    }
    %scan3A_31 = arith.constant 18 : i32
    %dma_wait3A = arith.constant 0 : i32
    %dma_wait3A_32 = tpu.memref_slice %arg3[%dma_wait3A] : memref<16056320xf32, #tpu.memory_space<hbm>> -> memref<14336xf32, #tpu.memory_space<hbm>>
    %dma_wait3A_33 = arith.constant 0 : i32
    %dma_wait3A_34 = tpu.memref_slice %arg3[%dma_wait3A_33] : memref<16056320xf32, #tpu.memory_space<hbm>> -> memref<14336xf32, #tpu.memory_space<hbm>>
    tpu.wait_dma2 semaphore(%arg9 : memref<!tpu.dma_semaphore, #tpu.memory_space<semaphore_mem>>) src(%arg6 : memref<14336xf32, #tpu.memory_space<vmem>>) dst(%dma_wait3A_34 : memref<14336xf32, #tpu.memory_space<hbm>>)
    %dma_wait3A_35 = arith.constant 0 : i32
    %dma_wait3A_36 = tpu.memref_slice %arg3[%dma_wait3A_35] : memref<16056320xf32, #tpu.memory_space<hbm>> -> memref<14336xf32, #tpu.memory_space<hbm>>
    %dma_wait3A_37 = arith.constant 0 : i32
    %dma_wait3A_38 = tpu.memref_slice %arg3[%dma_wait3A_37] : memref<16056320xf32, #tpu.memory_space<hbm>> -> memref<14336xf32, #tpu.memory_space<hbm>>
    tpu.wait_dma2 semaphore(%arg10 : memref<!tpu.dma_semaphore, #tpu.memory_space<semaphore_mem>>) src(%arg7 : memref<14336xf32, #tpu.memory_space<vmem>>) dst(%dma_wait3A_38 : memref<14336xf32, #tpu.memory_space<hbm>>)
    return
  }
}

</mosaic_0001>

<sc_bundles>
// kernel: _sc_detile.3.cloned.1.call-start
scs
__scs_entry_jumppad:
0x0: {  	(pc) =	sbr.rel $0x88, $3  }
0x1: {  	(tag) =	ssettag $0x0;
	lr =	simm.s32 $0x1  }
0x2: {  	[smem:$0x3FA0] =	sst lr;
	_ =	strace $0xD0000000  }
0x3: {  	_ = 	snop  }
0x4: {  	_ = 	snop  }
0x5: {  	_ = 	snop  }
0x6: {  	_ = 	snop  }
0x7: {  	_ = 	snop  }
__scs_overlays_trampoline_lowered:
0x8: {  	[smem:$0x3FAF] =	sst s0  }
0x9: {  	[smem:$0x3FB0] =	sst s1  }
0xa: {  	[smem:$0x3FB1] =	sst s2  }
0xb: {  	[smem:$0x3FB2] =	sst s3  }
0xc: {  	[smem:$0x3FB3] =	sst s4  }
0xd: {  	[smem:$0x3FB4] =	sst s5  }
0xe: {  	[smem:$0x3FB5] =	sst s6  }
0xf: {  	[smem:$0x3FB6] =	sst s7  }
0x10: {  	[smem:$0x3FB7] =	sst s8  }
0x11: {  	[smem:$0x3FB8] =	sst s9;
	s0 =	simm.s32 @!p0 $0x0  }
0x12: {  	s1 =	sld [smem:$0x3F9E];
	s0 =	simm.s32 @p0 $0x1  }
0x13: {  	[smem:$0x3FB9] =	sst s0;
	s0 =	simm.s32 @!p1 $0x0  }
0x14: {  	s2 =	sld [smem:$0x3F9D];
	s0 =	simm.s32 @p1 $0x1  }
0x15: {  	[smem:$0x3FBA] =	sst s0;
	s0 =	simm.s32 @!p2 $0x0  }
0x16: {  	s3 =	sld [smem:$0x3FDB];
	s0 =	simm.s32 @p2 $0x1  }
0x17: {  	s4 =	simm.s32 $0x1BF5;
	[smem:$0x3FBC] =	sst s0  }
0x18: {  	s0 =	sld [smem:$0x3F9F];
	_ =	swait.ge [sflag:s4], $0x0  }
0x19: {  	s7 =	sld [smem:$0x3FA0]  }
0x1a: {  	s8 =	sadd.s32 $0xFFFFE003, lr  }
0x1b: {  	s9 =	sadd.s32 $0xFFFFFEF7, lr;
	s5 =	simm.s32 $0xFFFFFFFF;
	p2 =	slt.u32 s8, $0xFFFFF086  }
0x1c: {  	p1 =	slt.u32 s9, $0xF7A;
	s5 =	simm.s32 @!p2 $0x0  }
0x1d: {  	s5 =	simm.s32 @p1 $0x1;
	p0 =	seq.s32 s7, s2  }
0x1e: {  	s7 =	smul.u32 @!p0 $0xF7A, s2;
	p2 =	seq.s32 @!p0 s5, $0x0  }
0x1f: {  	s9 =	smul.u32 $0xF7A, s1;
	s8 =	simm.s32 @!p0 $0x1BF5;
	p2 =	por !p2, p0  }
0x20: {  	[sflag:s8] =	ssyncset.s32 @!p0 $0xFFFFF086;
	s6 =	sadd.s32 @!p0 s3, s7;
	s7 =	simm.s32 @!p0 $0x108  }
0x21: {  	s3 =	sadd.s32 s3, s9;
	s6 =	sadd.s32 @!p0 $0x88, s6;
	s7 =	simm.s32 @p2 $0x1082  }
0x22: {  	[simem:s7], [sflag:s8] =	dma.local @!p0 [hbm:s6], $0xF7A  }
0x23: {  	s9 =	sor.u32 $0xD0000000, s2;
	s6 =	simm.s32 $0x108;
	_ =	swait.ge @!p0 [sflag:s8], $0x0  }
0x24: {  	s3 =	sadd.s32 $0x88, s3;
	s6 =	simm.s32 @!p1 $0x1082;
	[sflag:s4] =	ssyncset.s32 $0xFFFFF086  }
0x25: {  	[simem:s6], [sflag:s4] =	dma.local [hbm:s3], $0xF7A  }
0x26: {  	[smem:$0x3FA0] =	sst s1;
	(tag) =	ssettag s2;
	_ =	strace s9  }
0x27: {  	s1 =	sld [smem:$0x3FB0]  }
0x28: {  	s2 =	sld [smem:$0x3FB1]  }
0x29: {  	s4 =	sld [smem:$0x3FB3]  }
0x2a: {  	p0 =	seq.s32 s5, $0x0;
	s5 =	sld [smem:$0x3FB4]  }
0x2b: {  	s6 =	sld [smem:$0x3FB5]  }
0x2c: {  	s7 =	sld [smem:$0x3FB6]  }
0x2d: {  	s3 =	simm.s32 $0x108;
	s8 =	sld [smem:$0x3FB7]  }
0x2e: {  	s3 =	simm.s32 @!p0 $0x1082;
	s9 =	sld [smem:$0x3FB8]  }
0x2f: {  	lr =	sadd.s32 s0, s3;
	s0 =	sld [smem:$0x3FAF]  }
0x30: {  	s3 =	sld [smem:$0x3FB2]  }
0x31: {  	[smem:$0x3FBB] =	sst s10  }
0x32: {  	s10 =	sld [smem:$0x3FB9];
	_ =	sdelay $0x3  }
0x33: {  	p0 =	seq.s32 s10, $0x1;
	s10 =	sld [smem:$0x3FBB];
	_ =	sdelay $0x3  }
0x34: {  	[smem:$0x3FBB] =	sst s10  }
0x35: {  	s10 =	sld [smem:$0x3FBA];
	_ =	sdelay $0x3  }
0x36: {  	p1 =	seq.s32 s10, $0x1;
	s10 =	sld [smem:$0x3FBB];
	_ =	sdelay $0x3  }
0x37: {  	[smem:$0x3FBB] =	sst s10  }
0x38: {  	s10 =	sld [smem:$0x3FBC]  }
0x39: {  	_ = 	snop;
	(pc) =	sbr.ind lr, $3  }
0x3a: {  	_ = 	snop  }
0x3b: {  	_ = 	snop  }
0x3c: {  	p2 =	seq.s32 s10, $0x1;
	s10 =	sld [smem:$0x3FBB]  }
0x3d: {  	_ =	shalt  }
0x3e: {  	_ =	shalt  }
0x3f: {  	_ =	shalt  }
0x40: {  	_ =	shalt  }
0x41: {  	_ =	shalt  }
0x42: {  	_ =	shalt  }
0x43: {  	_ =	shalt  }
0x44: {  	_ =	shalt  }
0x45: {  	_ =	shalt  }
0x46: {  	_ =	shalt  }
0x47: {  	_ =	shalt  }
0x48: {  	_ =	shalt  }
0x49: {  	_ =	shalt  }
0x4a: {  	_ =	shalt  }
0x4b: {  	_ =	shalt  }
0x4c: {  	_ =	shalt  }
0x4d: {  	_ =	shalt  }
0x4e: {  	_ =	shalt  }
0x4f: {  	_ =	shalt  }
0x50: {  	_ =	shalt  }
0x51: {  	_ =	shalt  }
0x52: {  	_ =	shalt  }
0x53: {  	_ =	shalt  }
0x54: {  	_ =	shalt  }
0x55: {  	_ =	shalt  }
0x56: {  	_ =	shalt  }
0x57: {  	_ =	shalt  }
0x58: {  	_ =	shalt  }
0x59: {  	_ =	shalt  }
0x5a: {  	_ =	shalt  }
0x5b: {  	_ =	shalt  }
0x5c: {  	_ =	shalt  }
0x5d: {  	_ =	shalt  }
0x5e: {  	_ =	shalt  }
0x5f: {  	_ =	shalt  }
0x60: {  	_ =	shalt  }
0x61: {  	_ =	shalt  }
0x62: {  	_ =	shalt  }
0x63: {  	_ =	shalt  }
0x64: {  	_ =	shalt  }
0x65: {  	_ =	shalt  }
0x66: {  	_ =	shalt  }
0x67: {  	_ =	shalt  }
0x68: {  	_ =	shalt  }
0x69: {  	_ =	shalt  }
0x6a: {  	_ =	shalt  }
0x6b: {  	_ =	shalt  }
0x6c: {  	_ =	shalt  }
0x6d: {  	_ =	shalt  }
0x6e: {  	_ =	shalt  }
0x6f: {  	_ =	shalt  }
0x70: {  	_ =	shalt  }
0x71: {  	_ =	shalt  }
0x72: {  	_ =	shalt  }
0x73: {  	_ =	shalt  }
0x74: {  	_ =	shalt  }
0x75: {  	_ =	shalt  }
0x76: {  	_ =	shalt  }
0x77: {  	_ =	shalt  }
0x78: {  	_ =	shalt  }
0x79: {  	_ =	shalt  }
0x7a: {  	_ =	shalt  }
0x7b: {  	_ =	shalt  }
0x7c: {  	_ =	shalt  }
0x7d: {  	_ =	shalt  }
0x7e: {  	_ =	shalt  }
0x7f: {  	_ =	shalt  }
0x80: {  	_ =	shalt  }
0x81: {  	_ =	shalt  }
0x82: {  	_ =	shalt  }
0x83: {  	_ =	shalt  }
0x84: {  	_ =	shalt  }
0x85: {  	_ =	shalt  }
0x86: {  	_ =	shalt  }
0x87: {  	_ =	shalt  }
.Lfunc_end0:
.L_simem_size_0:
called_computation_lowered:
.L_overlay_start_0:
0x88: {  	s2 =	sld [smem:$0x3FD9]  }
0x89: {  	s3 =	sld [smem:$0x3FFE];
	_ =	sdelay $0x1  }
0x8a: {  	s1 =	srdreg.scid  }
0x8b: {  	s0 =	sand.u32 $0x1, s1  }
0x8c: {  	s18 =	sshll.u32 s0, $0xA;
	s2 =	sadd.s32 s3, s2  }
0x8d: {  	s2 =	sadd.s32 s2, s18  }
0x8e: {  	[smem:$0x3FC7] =	sst s2  }
0x8f: {  	_ = 	snop  }
0x90: {  	s2 =	sld [smem:$0x3FC9]  }
0x91: {  	s19 =	sld [smem:$0x3FD0];
	(tm) =	ssettm $0x1  }
0x92: {  	s4 =	sld [smem:$0x3FFB];
	_ =	sdelay $0x3  }
0x93: {  	_ =	strace s4  }
0x94: {  	s4 =	sld [smem:$0x3FFC];
	_ =	sdelay $0x3  }
0x95: {  	_ =	strace s4  }
0x96: {  	s4 =	sld [smem:$0x3FFD];
	_ =	sdelay $0x3  }
0x97: {  	_ =	strace s4  }
0x98: {  	_ =	strace $0x8FFFFFFF  }
0x99: {  	s20 =	sld [smem:$0x3FDB];
	_ =	sdelay $0x1  }
0x9a: {  	s5 =	simm.s32 $_scs_section_size  }
0x9b: {  	s6 =	simm.s32 $_size__tile_overlayer_lowered;
	s7 =	simm.s32 $_tile_overlayer_lowered  }
0x9c: {  	s23 =	simm.s32 $0x1BFF;
	s22 =	sshll.u32 s7, $0x1;
	s4 =	sadd.s32 s5, s20  }
0x9d: {  	s8 =	simm.s32 $0x0;
	s21 =	sshll.u32 s6, $0x1;
	s6 =	sadd.s32 s22, s4  }
0x9e: {  	[timem:s8], [sflag:s23] =	dma.local [hbm:s6], s21  }
0x9f: {  	_ =	swait.ge [sflag:s23], s21  }
0xa0: {  	s5 =	ssub.s32 $0x0, s21;
	[sflag:s23] =	ssyncset.done $0x0  }
0xa1: {  	[sflag:s23] =	ssyncadd.s32 s5;
	_ =	sdelay $0x1  }
0xa2: {  	s24 =	simm.s32 $0x1B8B  }
0xa3: {  	_ =	swait.ge [sflag:s24], $0x1  }
0xa4: {  	[sflag:s24] =	ssyncset.done $0x0  }
0xa5: {  	s25 =	simm.s32 $0x1B8E;
	[sflag:s24] =	ssyncadd.s32 $0xFFFFFFFF  }
0xa6: {  	s26 =	simm.s32 $execute0_lowered;
	[smem:$0x3FD2] =	sst s25  }
0xa7: {  	s5 =	sshll.u32 s26, $0x1;
	_ =	strace $0x80000046;
	[dreg:$0x1] =	wrdreg $0xFFFFFFFF  }
0xa8: {  	s28 =	simm.s32 $_size_execute0_lowered;
	s4 =	sadd.s32 s4, s5;
	[dreg:$0x0] =	wrdreg $0x0  }
0xa9: {  	s5 =	sshll.u32 s28, $0x1;
	[dreg:$0x2] =	wrdreg s4  }
0xaa: {  	[dreg:$0x3] =	wrdreg s5  }
0xab: {  	[dreg:$0x4] =	wrdreg $0xC0  }
0xac: {  	_ =	task [dreg:s8], $0x5FFFF  }
0xad: {  	[dreg:$0x1] =	wrdreg $0xFFFFFFFF  }
0xae: {  	[dreg:$0x0] =	wrdreg $0x60  }
0xaf: {  	[dreg:$0x2] =	wrdreg s2  }
0xb0: {  	[dreg:$0x3] =	wrdreg s19  }
0xb1: {  	[dreg:$0x4] =	wrdreg $0x9  }
0xb2: {  	_ =	task.clear_ibuf [dreg:s8], $0x5FFFF;
	_ =	strace $0x90000046  }
0xb3: {  	s29 =	simm.s32 $0x9;
	_ =	strace $0x80000048  }
0xb4: {  	_ =	swait.ge [sflag:s29], $0x1  }
0xb5: {  	[sflag:s29] =	ssyncadd.s32 $0xFFFFFFFF  }
0xb6: {  	_ =	strace $0x90000048  }
0xb7: {  	_ =	sfence  }
0xb8: {  	s30 =	sld [smem:$0x0];
	_ =	sdelay $0x2  }
0xb9: {  	s31 =	sshll.u32 s1, $0xD;
	s1 =	sshrl.u32 s1, $0x2  }
0xba: {  	s3 =	sand.u32 $0x4000, s31;
	s1 =	sadd.s32 s1, s30  }
0xbb: {  	s0 =	sor.u32 s3, s0;
	s1 =	sshll.u32 s1, $0x11  }
0xbc: {  	s0 =	sor.u32 s1, s0  }
0xbd: {  	s0 =	sadd.s32 $0x8F2B, s0  }
0xbe: {  	[sflag:s0] =	ssyncadd.remote.s32 $0x1  }
0xbf: {  	_ =	sfence.sel $0xFFFF  }
0xc0: {  	[dreg:$0x0] =	wrdreg $0xFFFFFFFF;
	(pc) =	sbr.abs _section_cstart, $3  }
0xc1: {  	[dreg:$0x1] =	wrdreg $0xFFFFFFFF  }
0xc2: {  	_ =	task.clear_ibuf [dreg:s8], $0x2FFFF;
	_ =	strace $0x9FFFFFFF  }
0xc3: {  	(tm) =	ssettm $0x7FFFFFFF  }
tec
execute0_lowered:
.L_overlay_start_1:
0x0: {  	(tag) =	ssettag $0x1  }
0x1: {  	s1 =	srdreg.scid;
	s0 =	stileid.u32  }
0x2: {  	s8 =	rddreg [dreg:$0x0];
	s5 =	smul.u32 $0xF500, s0  }
0x3: {  	s9 =	rddreg [dreg:$0x1];
	s2 =	simm.s32 $0x0;
	s12 =	smul.u32 $0x1EA, s0  }
0x4: {  	s14 =	simm.s32 $0x2;
	s7 =	sand.u32 $0x1, s1;
	s30 =	smul.u32 $0x1EA00, s0  }
0x5: {  	s15 =	simm.s32 $0x3;
	s16 =	simm.s32 $0x0;
	s10 =	smul.u32 $0x7A80, s7  }
0x6: {  	s24 =	sshll.u32 s0, $0x1;
	s1 =	rddreg [dreg:$0x2];
	s13 =	smul.u32 $0xF5, s7  }
0x7: {  	[smem:$0x7FF] =	sst s2;
	s3 =	sor.u32 s7, s24;
	s31 =	smul.u32 $0xF500, s7  }
0x8: {  	_ =	strace $0x80000047;
	s6 =	ssub.s32 $0x2, s7;
	s4 =	smul.u32 $0x7A80, s3  }
0x9: {  	s3 =	smul.u32 $0x3D400, s3;
	s11 =	sshrl.u32 s6, $0x1;
	s26 =	sadd.s32 s5, s8  }
0xa: {  	s6 =	ssub.s32 s6, s11;
	s28 =	sadd.s32 s13, s12;
	s12 =	sadd.s32 s30, s9  }
0xb: {  	s13 =	simm.s32 $0x7000;
	s3 =	sshrl.u32 s3, $0x3;
	s5 =	smax.u32 s6, $0x1  }
0xc: {  	s6 =	sadd.s32 s10, s26;
	s29 =	sshll.u32 s28, $0x7;
	s10 =	sshll.u32 s28, $0x8  }
0xd: {  	s25 =	sadd.s32 s8, s3;
	s3 =	sadd.s32 s8, s4;
	s11 =	sadd.s32 s29, s8  }
0xe: {  	s10 =	sadd.s32 $0x700, s10;
	s8 =	sadd.s32 s31, s12;
	s12 =	simm.s32 $0x1  }
0xf: {  	s4 =	sadd.s32 $0xF5000, s25;
	s7 =	sadd.s32 $0x700, s11;
	s10 =	sand.u32 $0x1FFF00, s10  }
0x10: {  	s9 =	sadd.s32 s10, s9;
	s10 =	sadd.s32 $0x380, s11;
	s11 =	simm.s32 $0x1C00  }
.LBB2_1:
0x11: {  	[tilespmem:s2], [sflag:$0x1] =	stream.linear.gather [hbm4b:s3+s2], $0x1C00, $0x38;
	[tilespmem:$0xE000] =	vst v63  }
0x12: {  	p1 =	por $0x0, $0x0  }
0x13: {  	s17 =	sadd.s32 @!p1 $0x0, s6;
	p0 =	por p1, p1  }
0x14: {  	[tilespmem:s11], [sflag:$0x1] =	stream.linear.gather [hbm4b:s4+s2], $0x1C00, $0x38;
	[tilespmem:$0xE000] =	vst v63  }
0x15: {  	s19 =	sadd.s32 @!p0 $0x0, s10;
	s18 =	simm.s32 @!p0 $0x0;
	s20 =	simm.s32 @!p0 $0x3800  }
0x16: {  	[tilespmem:s20], [sflag:$0x1] =	stream.linear.gather @!p0 [hbm4b:s19+s18], $0x1C00, $0x38;
	[tilespmem:$0xE000] =	vst v63  }
0x17: {  	s19 =	sadd.s32 @!p1 $0xF5380, s17;
	s20 =	simm.s32 @!p0 $0x5400  }
0x18: {  	[tilespmem:s20], [sflag:$0x1] =	stream.linear.gather @!p0 [hbm4b:s19+s18], $0x1C00, $0x38;
	[tilespmem:$0xE000] =	vst v63  }
0x19: {  	_ =	swait.ge [sflag:s12], $0x1C00  }
0x1a: {  	[sflag:s12] =	ssyncset.done $0x0  }
0x1b: {  	[sflag:s12] =	ssyncadd.s32 $0xFFFFE400  }
0x1c: {  	_ =	swait.ge [sflag:s12], $0x1C00  }
0x1d: {  	p2 =	por $0x1, $0x1;
	[sflag:s12] =	ssyncset.done $0x0  }
0x1e: {  	s19 =	simm.s32 @!p2 $0x2;
	[sflag:s12] =	ssyncadd.s32 $0xFFFFE400  }
0x1f: {  	_ =	swait.ge @!p2 [sflag:s19], $0x3800  }
0x20: {  	[sflag:s19] =	ssyncset.done @!p2 $0x0  }
0x21: {  	[sflag:s19] =	ssyncadd.s32 @!p2 $0xFFFFC800  }
0x22: {  	[hbm4b:s8+s2] =	stream.linear.scatter [tilespmem:s13], [sflag:$0x2], $0x3800, $0x38;
	[tilespmem:$0xE000] =	vst v63  }
0x23: {  	s19 =	sadd.s32 @!p0 $0x0, s7  }
0x24: {  	[tilespmem:s18], [sflag:$0x1] =	stream.linear.gather @!p0 [hbm4b:s19+s18], $0x1C00, $0x38;
	[tilespmem:$0xE000] =	vst v63  }
0x25: {  	s17 =	sadd.s32 @!p1 $0xF5700, s17;
	s20 =	simm.s32 @!p0 $0x1;
	s19 =	simm.s32 @!p0 $0x1C00  }
0x26: {  	[tilespmem:s19], [sflag:$0x1] =	stream.linear.gather @!p0 [hbm4b:s17+s18], $0x1C00, $0x38;
	[tilespmem:$0xE000] =	vst v63  }
0x27: {  	s22 =	simm.s32 $0xE00;
	_ =	swait.ge @!p0 [sflag:s20], $0x1C00  }
0x28: {  	s21 =	sadd.s32 $0xE00, s8;
	s24 =	simm.s32 $0x5;
	[sflag:s20] =	ssyncset.done @!p0 $0x0  }
0x29: {  	s26 =	simm.s32 @!p0 $0xA800;
	p1 =	por @!p1 $0x1, $0x1;
	[sflag:s20] =	ssyncadd.s32 @!p0 $0xFFFFE400  }
0x2a: {  	p1 =	por p1, p1;
	p2 =	por $0x0, $0x0;
	_ =	swait.ge @!p0 [sflag:s20], $0x1C00  }
0x2b: {  	p4 =	por p1, p0;
	p3 =	por @!p2 $0x0, $0x0;
	[sflag:s20] =	ssyncset.done @!p0 $0x0  }
0x2c: {  	s25 =	simm.s32 @!p4 $0x3;
	p1 =	por p3, p3;
	[sflag:s20] =	ssyncadd.s32 @!p0 $0xFFFFE400  }
0x2d: {  	s17 =	simm.s32 $0x700;
	s19 =	sadd.s32 @!p2 $0x700, s6;
	_ =	swait.ge @!p4 [sflag:s25], $0x3800  }
0x2e: {  	s23 =	sadd.s32 @!p2 $0xF5380, s19;
	s20 =	sadd.s32 @!p2 $0xF5700, s19;
	[sflag:s25] =	ssyncset.done @!p4 $0x0  }
0x2f: {  	s19 =	sadd.s32 $0xE00, s9;
	[sflag:s25] =	ssyncadd.s32 @!p4 $0xFFFFC800;
	s25 =	smov.u32 s9  }
.LBB2_2:
0x30: {  	[hbm4b:s25+s18] =	stream.linear.scatter @!p0 [tilespmem:s26], [sflag:$0x3], $0x3800, $0x38;
	[tilespmem:$0xE000] =	vst v63  }
0x31: {  	s26 =	smov.u32 s22;
	s25 =	smov.u32 s19;
	p0 =	por p2, p2  }
0x32: {  	s28 =	sadd.s32 @!p0 s17, s10;
	s18 =	simm.s32 @!p0 $0x0;
	s29 =	simm.s32 @!p0 $0x3800  }
0x33: {  	[tilespmem:s29], [sflag:$0x1] =	stream.linear.gather @!p0 [hbm4b:s28+s18], $0x1C00, $0x38;
	[tilespmem:$0xE000] =	vst v63  }
0x34: {  	p2 =	sgt.u32 s24, $0x22;
	s22 =	sadd.s32 $0x700, s22;
	s28 =	simm.s32 @!p0 $0x5400  }
0x35: {  	[tilespmem:s28], [sflag:$0x1] =	stream.linear.gather @!p0 [hbm4b:s23+s18], $0x1C00, $0x38;
	[tilespmem:$0xE000] =	vst v63  }
0x36: {  	p4 =	seq.s32 @!p2 s26, $0x0;
	s28 =	sadd.s32 @!p2 s26, s6;
	_ =	swait.ge [sflag:s12], $0x1C00  }
0x37: {  	s23 =	sadd.s32 @!p2 $0xF5380, s28;
	s28 =	sadd.s32 @!p2 $0xF5700, s28;
	[sflag:s12] =	ssyncset.done $0x0  }
0x38: {  	p3 =	sne.s32 s22, $0x7E00;
	[sflag:s12] =	ssyncadd.s32 $0xFFFFE400  }
0x39: {  	_ =	swait.ge [sflag:s12], $0x1C00  }
0x3a: {  	p5 =	seq.s32 s17, $0x0;
	[sflag:s12] =	ssyncset.done $0x0  }
0x3b: {  	s29 =	simm.s32 @!p5 $0x2;
	[sflag:s12] =	ssyncadd.s32 $0xFFFFE400  }
0x3c: {  	_ =	swait.ge @!p5 [sflag:s29], $0x3800  }
0x3d: {  	[sflag:s29] =	ssyncset.done @!p5 $0x0  }
0x3e: {  	[sflag:s29] =	ssyncadd.s32 @!p5 $0xFFFFC800  }
0x3f: {  	[hbm4b:s21+s2] =	stream.linear.scatter [tilespmem:s13], [sflag:$0x2], $0x3800, $0x38;
	[tilespmem:$0xE000] =	vst v63  }
0x40: {  	s29 =	sadd.s32 @!p0 s17, s7;
	s17 =	smov.u32 s26  }
0x41: {  	[tilespmem:s18], [sflag:$0x1] =	stream.linear.gather @!p0 [hbm4b:s29+s18], $0x1C00, $0x38;
	[tilespmem:$0xE000] =	vst v63  }
0x42: {  	s26 =	simm.s32 @!p0 $0x1C00;
	s29 =	simm.s32 @!p0 $0x1  }
0x43: {  	[tilespmem:s26], [sflag:$0x1] =	stream.linear.gather @!p0 [hbm4b:s20+s18], $0x1C00, $0x38;
	[tilespmem:$0xE000] =	vst v63  }
0x44: {  	s20 =	smov.u32 s28;
	_ =	swait.ge @!p0 [sflag:s29], $0x1C00  }
0x45: {  	[sflag:s29] =	ssyncset.done @!p0 $0x0  }
0x46: {  	[sflag:s29] =	ssyncadd.s32 @!p0 $0xFFFFE400  }
0x47: {  	_ =	swait.ge @!p0 [sflag:s29], $0x1C00  }
.Ltmp0:
0x48: {  	p5 =	por p1, p0;
	[sflag:s29] =	ssyncset.done @!p0 $0x0;
	(pc) =	sbr.rel @p3 .LBB2_2-.Ltmp0, $4  }
0x49: {  	p1 =	por p4, p4;
	s26 =	simm.s32 @!p5 $0x3;
	[sflag:s29] =	ssyncadd.s32 @!p0 $0xFFFFE400  }
0x4a: {  	_ =	swait.ge @!p5 [sflag:s26], $0x3800  }
0x4b: {  	s19 =	sadd.s32 $0xE00, s19;
	s21 =	sadd.s32 $0xE00, s21;
	[sflag:s26] =	ssyncset.done @!p5 $0x0  }
0x4c: {  	s24 =	sadd.s32 $0x2, s24;
	[sflag:s26] =	ssyncadd.s32 @!p5 $0xFFFFC800;
	s26 =	simm.s32 @!p0 $0xA800  }
0x4d: {  	[hbm4b:s25+s18] =	stream.linear.scatter @!p0 [tilespmem:s26], [sflag:$0x3], $0x3800, $0x38;
	[tilespmem:$0xE000] =	vst v63  }
0x4e: {  	p0 =	por p2, p2  }
0x4f: {  	s18 =	sadd.s32 @!p0 s17, s10;
	s22 =	simm.s32 @!p0 $0x0;
	s24 =	simm.s32 @!p0 $0x3800  }
0x50: {  	[tilespmem:s24], [sflag:$0x1] =	stream.linear.gather @!p0 [hbm4b:s18+s22], $0x1C00, $0x38;
	[tilespmem:$0xE000] =	vst v63  }
0x51: {  	s18 =	simm.s32 @!p0 $0x5400  }
0x52: {  	[tilespmem:s18], [sflag:$0x1] =	stream.linear.gather @!p0 [hbm4b:s23+s22], $0x1C00, $0x38;
	[tilespmem:$0xE000] =	vst v63  }
0x53: {  	_ =	swait.ge [sflag:s12], $0x1C00  }
0x54: {  	[sflag:s12] =	ssyncset.done $0x0  }
0x55: {  	[sflag:s12] =	ssyncadd.s32 $0xFFFFE400  }
0x56: {  	_ =	swait.ge [sflag:s12], $0x1C00  }
0x57: {  	p2 =	seq.s32 s17, $0x0;
	[sflag:s12] =	ssyncset.done $0x0  }
0x58: {  	s18 =	simm.s32 @!p2 $0x2;
	[sflag:s12] =	ssyncadd.s32 $0xFFFFE400  }
0x59: {  	_ =	swait.ge @!p2 [sflag:s18], $0x3800  }
0x5a: {  	[sflag:s18] =	ssyncset.done @!p2 $0x0  }
0x5b: {  	[sflag:s18] =	ssyncadd.s32 @!p2 $0xFFFFC800  }
0x5c: {  	[hbm4b:s21+s2] =	stream.linear.scatter [tilespmem:s13], [sflag:$0x2], $0x3800, $0x38;
	[tilespmem:$0xE000] =	vst v63  }
0x5d: {  	s17 =	sadd.s32 @!p0 s17, s7  }
0x5e: {  	[tilespmem:s22], [sflag:$0x1] =	stream.linear.gather @!p0 [hbm4b:s17+s22], $0x1C00, $0x38;
	[tilespmem:$0xE000] =	vst v63  }
0x5f: {  	s18 =	simm.s32 @!p0 $0x1;
	s17 =	simm.s32 @!p0 $0x1C00  }
0x60: {  	[tilespmem:s17], [sflag:$0x1] =	stream.linear.gather @!p0 [hbm4b:s20+s22], $0x1C00, $0x38;
	[tilespmem:$0xE000] =	vst v63  }
0x61: {  	_ =	swait.ge @!p0 [sflag:s18], $0x1C00  }
0x62: {  	[sflag:s18] =	ssyncset.done @!p0 $0x0  }
0x63: {  	[sflag:s18] =	ssyncadd.s32 @!p0 $0xFFFFE400  }
0x64: {  	_ =	swait.ge @!p0 [sflag:s18], $0x1C00  }
0x65: {  	p1 =	por p1, p0;
	[sflag:s18] =	ssyncset.done @!p0 $0x0  }
0x66: {  	s17 =	simm.s32 @!p1 $0x3;
	[sflag:s18] =	ssyncadd.s32 @!p0 $0xFFFFE400  }
0x67: {  	_ =	swait.ge @!p1 [sflag:s17], $0x3800  }
0x68: {  	[sflag:s17] =	ssyncset.done @!p1 $0x0  }
0x69: {  	s16 =	sadd.s32 $0x1, s16;
	[sflag:s17] =	ssyncadd.s32 @!p1 $0xFFFFC800;
	s17 =	simm.s32 @!p0 $0xA800  }
0x6a: {  	[hbm4b:s19+s22] =	stream.linear.scatter @!p0 [tilespmem:s17], [sflag:$0x3], $0x3800, $0x38;
	[tilespmem:$0xE000] =	vst v63  }
0x6b: {  	p0 =	sne.s32 s16, s5;
	_ =	swait.ge [sflag:s14], $0x3800  }
.Ltmp1:
0x6c: {  	[sflag:s14] =	ssyncset.done $0x0;
	(pc) =	sbr.rel @p0 .LBB2_1-.Ltmp1, $4  }
0x6d: {  	[sflag:s14] =	ssyncadd.s32 $0xFFFFC800  }
0x6e: {  	_ =	swait.ge [sflag:s15], $0x3800  }
0x6f: {  	[sflag:s15] =	ssyncset.done $0x0  }
0x70: {  	[sflag:s15] =	ssyncadd.s32 $0xFFFFC800  }
0x71: {  	_ =	sfence.sel $0x180000  }
0x72: {  	[bflag:$0x0] =	sbarrier.arrive $0xFFFF  }
0x73: {  	p0 =	sne.s32 s0, $0x0;
	_ =	strace $0x90000047  }
0x74: {  	s0 =	sadd.s32 @!p0 $0x100000, s1;
	[bflag:$0x2] =	sbarrier.arrive $0xFFFF  }
0x75: {  	[sflag:s0] =	ssyncadd.tile.s32 @!p0 $0x1;
	_ =	shalt  }
.Lfunc_end2:
_tile_overlayer_lowered:
.L_overlay_start_2:
0x76: {  	(tag) =	ssettag $0x2  }
0x77: {  	s0 =	rddreg [dreg:$0x0];
	s2 =	stileid.u32  }
0x78: {  	s1 =	rddreg [dreg:$0x1];
	p0 =	sne.s32 s2, $0x0  }
0x79: {  	s3 =	rddreg [dreg:$0x2];
	[bflag:$0x3] =	sbarrier.arrive $0xFFFF;
	s2 =	simm.s32 @!p0 $0x1C04  }
0x7a: {  	[timem:s3], [sflag:s2] =	dma.local @!p0 [hbm:s0], s1  }
0x7b: {  	s0 =	simm.s32 @!p0 $0x4  }
0x7c: {  	_ =	swait.ge @!p0 [sflag:s0], s1  }
0x7d: {  	s1 =	ssub.s32 @!p0 $0x0, s1;
	[sflag:s0] =	ssyncset.done @!p0 $0x0  }
0x7e: {  	[sflag:s0] =	ssyncadd.s32 @!p0 s1  }
0x7f: {  	[bflag:$0x3] =	sbarrier.arrive $0xFFFF  }
0x80: {  	_ =	shalt  }

</sc_bundles>
